<compile_context>
chip_gen: v7x
topology: tpu7x:2x2x1
jax: 0.10.2.dev20260603
libtpu: 0.0.44.dev20260713+nightly
codegen_flags: <defaults>
</compile_context>

<pallas_src>
import functools

import jax
import jax.numpy as jnp
from jax import lax
from jax.experimental import pallas as pl
from jax.experimental.pallas import tpu as pltpu
from jax.experimental.pallas import tpu_sc as plsc

HQ = 16384
W = 32
D = 128
NW = 32
CQ = 256
NCHUNK = HQ // CQ
OUTC = W * D + 2 * W

_mesh = plsc.VectorSubcoreMesh(core_axis_name="c", subcore_axis_name="s")


@functools.partial(
    pl.kernel,
    mesh=_mesh,
    compiler_params=pltpu.CompilerParams(
        use_tc_tiling_on_sc=True, needs_layout_passes=False),
    out_type=jax.ShapeDtypeStruct((HQ, OUTC), jnp.float32),
    scratch_types=[
        pltpu.VMEM((HQ,), jnp.int32),
        pltpu.VMEM((CQ, D), jnp.float32),
        pltpu.VMEM((CQ, D), jnp.float32),
        pltpu.SemaphoreType.DMA,
        pltpu.SemaphoreType.DMA,
        pltpu.SemaphoreType.DMA,
        pltpu.SemaphoreType.DMA,
    ],
)
def _gather_kernel(x_hbm, idxt_hbm, out_hbm,
                   col_all, rows_0, rows_1,
                   sem_g0, sem_g1, sem_o0, sem_o1):
    wid = lax.axis_index("s") * 2 + lax.axis_index("c")

    rows_b = (rows_0, rows_1)
    sem_gb = (sem_g0, sem_g1)
    sem_ob = (sem_o0, sem_o1)

    pltpu.sync_copy(idxt_hbm.at[pl.ds(wid * HQ, HQ)], col_all)

    def fire_gather(c, b):
        rows_v = rows_b[b]
        for u in range(CQ // 128):
            pltpu.async_copy(
                x_hbm.at[col_all.at[pl.ds(c * CQ + u * 128, 128)]],
                rows_v.at[pl.ds(u * 128, 128)],
                sem_gb[b],
            )

    def wait_gather(b):
        pltpu.make_async_copy(
            x_hbm.at[pl.ds(0, CQ)], rows_b[b].at[pl.ds(0, CQ)],
            sem_gb[b]).wait()

    def fire_out(c, b):
        pltpu.async_copy(
            rows_b[b],
            out_hbm.at[pl.ds(c * CQ, CQ), pl.ds(wid * D, D)],
            sem_ob[b],
        )

    def drain_out(b):
        pltpu.make_async_copy(
            rows_b[b], out_hbm.at[pl.ds(0, CQ), pl.ds(0, D)],
            sem_ob[b]).wait()

    fire_gather(0, 0)
    fire_gather(1, 1)
    wait_gather(0)
    fire_out(0, 0)

    def pair_body(s, carry):
        for b in range(2):
            c = 2 * s + b
            drain_out(b)
            fire_gather(c, b)
            wait_gather(1 - b)
            fire_out(c - 1, 1 - b)
        return carry

    lax.fori_loop(1, NCHUNK // 2, pair_body, 0)

    wait_gather(1)
    fire_out(NCHUNK - 1, 1)
    drain_out(0)
    drain_out(1)


def kernel(x, idx, dis, angle):
    idxt = idx.astype(jnp.int32).T.reshape(-1)
    out = _gather_kernel(x, idxt)
    da = jnp.concatenate([dis, angle], axis=1)
    return lax.dynamic_update_slice(out, da, (0, W * D))

# --- scband reference (transcript-rebuilt; emitter-appended) ---
"""Pipeline reference for scband-idx-layer-31980326486772 (READ-ONLY COPY).

The authoritative reference and input builder live on the scoring server;
editing this copy changes nothing except your own understanding.
"""

import jax, jax.numpy as jnp
import numpy as np


def setup_inputs(seed: int = 0) -> dict:
    key = jax.random.key(seed)
    k1, k2, k3, k4 = jax.random.split(key, 4)
    x = jax.random.normal(k1, (100000, 128), dtype=jnp.float32)
    idx = jax.random.randint(k2, (16384, 32), 0, 100000, dtype=jnp.int64)
    dis = jax.random.uniform(k3, (16384, 32), dtype=jnp.float32)
    angle = jax.random.uniform(k4, (16384, 32), dtype=jnp.float32)
    return {"x": x, "idx": idx, "dis": dis, "angle": angle}


def reference(x, idx, dis, angle):
    # Faithful translation of idxLayer.forward:
    #   for each row i: gather x[idx[i]] and flatten -> row of [w*d]
    #   then concat with dis and angle reshaped to [h, -1] along dim 1
    h, w = idx.shape
    gathered = jnp.take(x, idx, axis=0)          # [h, w, d] == stacked index_select rows
    gathered = gathered.reshape(h, -1)            # each row t.view(1, -1), then cat along dim 0
    dis_r = dis.reshape(h, -1)
    angle_r = angle.reshape(h, -1)
    out = jnp.concatenate([gathered, dis_r, angle_r], axis=1)
    return out

if __name__ == "__main__":
    import jax
    _d = setup_inputs()
    print(jax.jit(kernel)(*tuple(_d.values())))

</pallas_src>

<mosaic_0001>
#map = affine_map<(d0, d1) -> (0, 0)>
#map1 = affine_map<(d0, d1) -> (0)>
module attributes {stable_mosaic.version = 14 : i64} {
  func.func @_gather_kernel(%arg0: i32, %arg1: i32, %arg2: memref<100000x128xf32, #tpu.memory_space<hbm>>, %arg3: memref<524288xi32, #tpu.memory_space<hbm>>, %arg4: memref<16384x4160xf32, #tpu.memory_space<hbm>>, %arg5: memref<16384xi32, #tpu.memory_space<vmem>>, %arg6: memref<256x128xf32, #tpu.memory_space<vmem>>, %arg7: memref<256x128xf32, #tpu.memory_space<vmem>>, %arg8: memref<!tpu.dma_semaphore, #tpu.memory_space<semaphore_mem>>, %arg9: memref<!tpu.dma_semaphore, #tpu.memory_space<semaphore_mem>>, %arg10: memref<!tpu.dma_semaphore, #tpu.memory_space<semaphore_mem>>, %arg11: memref<!tpu.dma_semaphore, #tpu.memory_space<semaphore_mem>>) attributes {dimension_semantics = [#tpu.dimension_semantics<core_parallel>, #tpu.dimension_semantics<subcore_parallel>], iteration_bounds = array<i64: 2, 16>, scalar_prefetch = 0 : i64, scratch_operands = 7 : i64, tpu.core_type = #tpu.core_type<sc_vector_subcore>, window_params = [{transform_indices = #map}, {transform_indices = #map1}, {transform_indices = #map}]} {
    %mul3A = arith.constant 2 : i32
    %mul3A_0 = arith.muli %arg1, %mul3A : i32
    %add3A = arith.addi %mul3A_0, %arg0 : i32
    %mul3A_1 = arith.constant 16384 : i32
    %mul3A_2 = arith.muli %add3A, %mul3A_1 : i32
    "tpu.region"() ({
      %run_scoped3A = tpu.sem_alloc : memref<!tpu.dma_semaphore, #tpu.memory_space<semaphore_mem>>
      %dma_start3A_86 = tpu.memref_slice %arg3[%mul3A_2] : memref<524288xi32, #tpu.memory_space<hbm>> -> memref<16384xi32, #tpu.memory_space<hbm>>
      %dma_start3A_87 = tpu.memref_slice %arg3[%mul3A_2] : memref<524288xi32, #tpu.memory_space<hbm>> -> memref<16384xi32, #tpu.memory_space<hbm>>
      tpu.enqueue_dma source(%dma_start3A_87 : memref<16384xi32, #tpu.memory_space<hbm>>) target(%arg5 : memref<16384xi32, #tpu.memory_space<vmem>>) target_semaphore(%run_scoped3A : memref<!tpu.dma_semaphore, #tpu.memory_space<semaphore_mem>>)
      %dma_wait3A_88 = tpu.memref_slice %arg3[%mul3A_2] : memref<524288xi32, #tpu.memory_space<hbm>> -> memref<16384xi32, #tpu.memory_space<hbm>>
      %dma_wait3A_89 = tpu.memref_slice %arg3[%mul3A_2] : memref<524288xi32, #tpu.memory_space<hbm>> -> memref<16384xi32, #tpu.memory_space<hbm>>
      tpu.wait_dma2 semaphore(%run_scoped3A : memref<!tpu.dma_semaphore, #tpu.memory_space<semaphore_mem>>) src(%dma_wait3A_89 : memref<16384xi32, #tpu.memory_space<hbm>>) dst(%arg5 : memref<16384xi32, #tpu.memory_space<vmem>>)
      tpu.yield
    }) : () -> ()
    %dma_start3A = arith.constant 0 : i32
    %dma_start3A_3 = arith.constant 0 : i32
    %dma_start3A_4 = tpu.memref_slice %arg6[%dma_start3A, %dma_start3A_3] : memref<256x128xf32, #tpu.memory_space<vmem>> -> memref<128x128xf32, #tpu.memory_space<vmem>>
    %dma_start3A_5 = arith.constant 0 : i32
    %dma_start3A_6 = tpu.memref_slice %arg5[%dma_start3A_5] : memref<16384xi32, #tpu.memory_space<vmem>> -> memref<128xi32, #tpu.memory_space<vmem>>
    %dma_start3A_7 = arith.constant 0 : i32
    %dma_start3A_8 = arith.constant 0 : i32
    %dma_start3A_9 = tpu.memref_slice %arg2[%dma_start3A_7, %dma_start3A_8] : memref<100000x128xf32, #tpu.memory_space<hbm>> -> memref<100000x128xf32, #tpu.memory_space<hbm>>
    tpu.enqueue_indirect_dma source(%dma_start3A_9 : memref<100000x128xf32, #tpu.memory_space<hbm>>) target(%dma_start3A_4 : memref<128x128xf32, #tpu.memory_space<vmem>>) offsets(%dma_start3A_6 : memref<128xi32, #tpu.memory_space<vmem>>) semaphore(%arg8 : memref<!tpu.dma_semaphore, #tpu.memory_space<semaphore_mem>>)
    %dma_start3A_10 = arith.constant 128 : i32
    %dma_start3A_11 = arith.constant 0 : i32
    %dma_start3A_12 = tpu.memref_slice %arg6[%dma_start3A_10, %dma_start3A_11] : memref<256x128xf32, #tpu.memory_space<vmem>> -> memref<128x128xf32, #tpu.memory_space<vmem>>
    %dma_start3A_13 = arith.constant 128 : i32
    %dma_start3A_14 = tpu.memref_slice %arg5[%dma_start3A_13] : memref<16384xi32, #tpu.memory_space<vmem>> -> memref<128xi32, #tpu.memory_space<vmem>>
    %dma_start3A_15 = arith.constant 0 : i32
    %dma_start3A_16 = arith.constant 0 : i32
    %dma_start3A_17 = tpu.memref_slice %arg2[%dma_start3A_15, %dma_start3A_16] : memref<100000x128xf32, #tpu.memory_space<hbm>> -> memref<100000x128xf32, #tpu.memory_space<hbm>>
    tpu.enqueue_indirect_dma source(%dma_start3A_17 : memref<100000x128xf32, #tpu.memory_space<hbm>>) target(%dma_start3A_12 : memref<128x128xf32, #tpu.memory_space<vmem>>) offsets(%dma_start3A_14 : memref<128xi32, #tpu.memory_space<vmem>>) semaphore(%arg8 : memref<!tpu.dma_semaphore, #tpu.memory_space<semaphore_mem>>)
    %dma_start3A_18 = arith.constant 0 : i32
    %dma_start3A_19 = arith.constant 0 : i32
    %dma_start3A_20 = tpu.memref_slice %arg7[%dma_start3A_18, %dma_start3A_19] : memref<256x128xf32, #tpu.memory_space<vmem>> -> memref<128x128xf32, #tpu.memory_space<vmem>>
    %dma_start3A_21 = arith.constant 256 : i32
    %dma_start3A_22 = tpu.memref_slice %arg5[%dma_start3A_21] : memref<16384xi32, #tpu.memory_space<vmem>> -> memref<128xi32, #tpu.memory_space<vmem>>
    %dma_start3A_23 = arith.constant 0 : i32
    %dma_start3A_24 = arith.constant 0 : i32
    %dma_start3A_25 = tpu.memref_slice %arg2[%dma_start3A_23, %dma_start3A_24] : memref<100000x128xf32, #tpu.memory_space<hbm>> -> memref<100000x128xf32, #tpu.memory_space<hbm>>
    tpu.enqueue_indirect_dma source(%dma_start3A_25 : memref<100000x128xf32, #tpu.memory_space<hbm>>) target(%dma_start3A_20 : memref<128x128xf32, #tpu.memory_space<vmem>>) offsets(%dma_start3A_22 : memref<128xi32, #tpu.memory_space<vmem>>) semaphore(%arg9 : memref<!tpu.dma_semaphore, #tpu.memory_space<semaphore_mem>>)
    %dma_start3A_26 = arith.constant 128 : i32
    %dma_start3A_27 = arith.constant 0 : i32
    %dma_start3A_28 = tpu.memref_slice %arg7[%dma_start3A_26, %dma_start3A_27] : memref<256x128xf32, #tpu.memory_space<vmem>> -> memref<128x128xf32, #tpu.memory_space<vmem>>
    %dma_start3A_29 = arith.constant 384 : i32
    %dma_start3A_30 = tpu.memref_slice %arg5[%dma_start3A_29] : memref<16384xi32, #tpu.memory_space<vmem>> -> memref<128xi32, #tpu.memory_space<vmem>>
    %dma_start3A_31 = arith.constant 0 : i32
    %dma_start3A_32 = arith.constant 0 : i32
    %dma_start3A_33 = tpu.memref_slice %arg2[%dma_start3A_31, %dma_start3A_32] : memref<100000x128xf32, #tpu.memory_space<hbm>> -> memref<100000x128xf32, #tpu.memory_space<hbm>>
    tpu.enqueue_indirect_dma source(%dma_start3A_33 : memref<100000x128xf32, #tpu.memory_space<hbm>>) target(%dma_start3A_28 : memref<128x128xf32, #tpu.memory_space<vmem>>) offsets(%dma_start3A_30 : memref<128xi32, #tpu.memory_space<vmem>>) semaphore(%arg9 : memref<!tpu.dma_semaphore, #tpu.memory_space<semaphore_mem>>)
    %dma_wait3A = arith.constant 0 : i32
    %dma_wait3A_34 = arith.constant 0 : i32
    %dma_wait3A_35 = tpu.memref_slice %arg6[%dma_wait3A, %dma_wait3A_34] : memref<256x128xf32, #tpu.memory_space<vmem>> -> memref<256x128xf32, #tpu.memory_space<vmem>>
    %dma_wait3A_36 = arith.constant 0 : i32
    %dma_wait3A_37 = arith.constant 0 : i32
    %dma_wait3A_38 = tpu.memref_slice %arg2[%dma_wait3A_36, %dma_wait3A_37] : memref<100000x128xf32, #tpu.memory_space<hbm>> -> memref<256x128xf32, #tpu.memory_space<hbm>>
    %dma_wait3A_39 = arith.constant 0 : i32
    %dma_wait3A_40 = arith.constant 0 : i32
    %dma_wait3A_41 = tpu.memref_slice %arg6[%dma_wait3A_39, %dma_wait3A_40] : memref<256x128xf32, #tpu.memory_space<vmem>> -> memref<256x128xf32, #tpu.memory_space<vmem>>
    %dma_wait3A_42 = arith.constant 0 : i32
    %dma_wait3A_43 = arith.constant 0 : i32
    %dma_wait3A_44 = tpu.memref_slice %arg2[%dma_wait3A_42, %dma_wait3A_43] : memref<100000x128xf32, #tpu.memory_space<hbm>> -> memref<256x128xf32, #tpu.memory_space<hbm>>
    tpu.wait_dma2 semaphore(%arg8 : memref<!tpu.dma_semaphore, #tpu.memory_space<semaphore_mem>>) src(%dma_wait3A_44 : memref<256x128xf32, #tpu.memory_space<hbm>>) dst(%dma_wait3A_41 : memref<256x128xf32, #tpu.memory_space<vmem>>)
    %mul3A_45 = arith.constant 128 : i32
    %mul3A_46 = arith.muli %add3A, %mul3A_45 : i32
    %dma_start3A_47 = arith.constant 0 : i32
    %dma_start3A_48 = tpu.memref_slice %arg4[%dma_start3A_47, %mul3A_46] : memref<16384x4160xf32, #tpu.memory_space<hbm>> -> memref<256x128xf32, #tpu.memory_space<hbm>>
    %dma_start3A_49 = arith.constant 0 : i32
    %dma_start3A_50 = tpu.memref_slice %arg4[%dma_start3A_49, %mul3A_46] : memref<16384x4160xf32, #tpu.memory_space<hbm>> -> memref<256x128xf32, #tpu.memory_space<hbm>>
    tpu.enqueue_dma source(%arg6 : memref<256x128xf32, #tpu.memory_space<vmem>>) target(%dma_start3A_50 : memref<256x128xf32, #tpu.memory_space<hbm>>) target_semaphore(%arg10 : memref<!tpu.dma_semaphore, #tpu.memory_space<semaphore_mem>>)
    %scan3A = arith.constant 0 : i32
    %scan3A_51 = arith.constant 1 : i32
    %scan3A_52 = arith.constant 31 : i32
    %scan3A_53 = arith.addi %scan3A_51, %scan3A_52 : i32
    %scan3A_54 = arith.constant 1 : i32
    scf.for %scan3A_86 = %scan3A_51 to %scan3A_53 step %scan3A_54  : i32 {
      %mul3A_87 = arith.constant 2 : i32
      %mul3A_88 = arith.muli %mul3A_87, %scan3A_86 : i32
      %add3A_89 = arith.constant 0 : i32
      %add3A_90 = arith.addi %mul3A_88, %add3A_89 : i32
      %dma_wait3A_91 = arith.constant 0 : i32
      %dma_wait3A_92 = arith.constant 0 : i32
      %dma_wait3A_93 = tpu.memref_slice %arg4[%dma_wait3A_91, %dma_wait3A_92] : memref<16384x4160xf32, #tpu.memory_space<hbm>> -> memref<256x128xf32, #tpu.memory_space<hbm>>
      %dma_wait3A_94 = arith.constant 0 : i32
      %dma_wait3A_95 = arith.constant 0 : i32
      %dma_wait3A_96 = tpu.memref_slice %arg4[%dma_wait3A_94, %dma_wait3A_95] : memref<16384x4160xf32, #tpu.memory_space<hbm>> -> memref<256x128xf32, #tpu.memory_space<hbm>>
      tpu.wait_dma2 semaphore(%arg10 : memref<!tpu.dma_semaphore, #tpu.memory_space<semaphore_mem>>) src(%arg6 : memref<256x128xf32, #tpu.memory_space<vmem>>) dst(%dma_wait3A_96 : memref<256x128xf32, #tpu.memory_space<hbm>>)
      %mul3A_97 = arith.constant 256 : i32
      %mul3A_98 = arith.muli %add3A_90, %mul3A_97 : i32
      %add3A_99 = arith.constant 0 : i32
      %add3A_100 = arith.addi %mul3A_98, %add3A_99 : i32
      %dma_start3A_101 = arith.constant 0 : i32
      %dma_start3A_102 = arith.constant 0 : i32
      %dma_start3A_103 = tpu.memref_slice %arg6[%dma_start3A_101, %dma_start3A_102] : memref<256x128xf32, #tpu.memory_space<vmem>> -> memref<128x128xf32, #tpu.memory_space<vmem>>
      %dma_start3A_104 = tpu.memref_slice %arg5[%add3A_100] : memref<16384xi32, #tpu.memory_space<vmem>> -> memref<128xi32, #tpu.memory_space<vmem>>
      %dma_start3A_105 = arith.constant 0 : i32
      %dma_start3A_106 = arith.constant 0 : i32
      %dma_start3A_107 = tpu.memref_slice %arg2[%dma_start3A_105, %dma_start3A_106] : memref<100000x128xf32, #tpu.memory_space<hbm>> -> memref<100000x128xf32, #tpu.memory_space<hbm>>
      tpu.enqueue_indirect_dma source(%dma_start3A_107 : memref<100000x128xf32, #tpu.memory_space<hbm>>) target(%dma_start3A_103 : memref<128x128xf32, #tpu.memory_space<vmem>>) offsets(%dma_start3A_104 : memref<128xi32, #tpu.memory_space<vmem>>) semaphore(%arg8 : memref<!tpu.dma_semaphore, #tpu.memory_space<semaphore_mem>>)
      %mul3A_108 = arith.constant 256 : i32
      %mul3A_109 = arith.muli %add3A_90, %mul3A_108 : i32
      %add3A_110 = arith.constant 128 : i32
      %add3A_111 = arith.addi %mul3A_109, %add3A_110 : i32
      %dma_start3A_112 = arith.constant 128 : i32
      %dma_start3A_113 = arith.constant 0 : i32
      %dma_start3A_114 = tpu.memref_slice %arg6[%dma_start3A_112, %dma_start3A_113] : memref<256x128xf32, #tpu.memory_space<vmem>> -> memref<128x128xf32, #tpu.memory_space<vmem>>
      %dma_start3A_115 = tpu.memref_slice %arg5[%add3A_111] : memref<16384xi32, #tpu.memory_space<vmem>> -> memref<128xi32, #tpu.memory_space<vmem>>
      %dma_start3A_116 = arith.constant 0 : i32
      %dma_start3A_117 = arith.constant 0 : i32
      %dma_start3A_118 = tpu.memref_slice %arg2[%dma_start3A_116, %dma_start3A_117] : memref<100000x128xf32, #tpu.memory_space<hbm>> -> memref<100000x128xf32, #tpu.memory_space<hbm>>
      tpu.enqueue_indirect_dma source(%dma_start3A_118 : memref<100000x128xf32, #tpu.memory_space<hbm>>) target(%dma_start3A_114 : memref<128x128xf32, #tpu.memory_space<vmem>>) offsets(%dma_start3A_115 : memref<128xi32, #tpu.memory_space<vmem>>) semaphore(%arg8 : memref<!tpu.dma_semaphore, #tpu.memory_space<semaphore_mem>>)
      %dma_wait3A_119 = arith.constant 0 : i32
      %dma_wait3A_120 = arith.constant 0 : i32
      %dma_wait3A_121 = tpu.memref_slice %arg7[%dma_wait3A_119, %dma_wait3A_120] : memref<256x128xf32, #tpu.memory_space<vmem>> -> memref<256x128xf32, #tpu.memory_space<vmem>>
      %dma_wait3A_122 = arith.constant 0 : i32
      %dma_wait3A_123 = arith.constant 0 : i32
      %dma_wait3A_124 = tpu.memref_slice %arg2[%dma_wait3A_122, %dma_wait3A_123] : memref<100000x128xf32, #tpu.memory_space<hbm>> -> memref<256x128xf32, #tpu.memory_space<hbm>>
      %dma_wait3A_125 = arith.constant 0 : i32
      %dma_wait3A_126 = arith.constant 0 : i32
      %dma_wait3A_127 = tpu.memref_slice %arg7[%dma_wait3A_125, %dma_wait3A_126] : memref<256x128xf32, #tpu.memory_space<vmem>> -> memref<256x128xf32, #tpu.memory_space<vmem>>
      %dma_wait3A_128 = arith.constant 0 : i32
      %dma_wait3A_129 = arith.constant 0 : i32
      %dma_wait3A_130 = tpu.memref_slice %arg2[%dma_wait3A_128, %dma_wait3A_129] : memref<100000x128xf32, #tpu.memory_space<hbm>> -> memref<256x128xf32, #tpu.memory_space<hbm>>
      tpu.wait_dma2 semaphore(%arg9 : memref<!tpu.dma_semaphore, #tpu.memory_space<semaphore_mem>>) src(%dma_wait3A_130 : memref<256x128xf32, #tpu.memory_space<hbm>>) dst(%dma_wait3A_127 : memref<256x128xf32, #tpu.memory_space<vmem>>)
      %sub3A = arith.constant 1 : i32
      %sub3A_131 = arith.subi %add3A_90, %sub3A : i32
      %mul3A_132 = arith.constant 256 : i32
      %mul3A_133 = arith.muli %sub3A_131, %mul3A_132 : i32
      %mul3A_134 = arith.constant 128 : i32
      %mul3A_135 = arith.muli %add3A, %mul3A_134 : i32
      %dma_start3A_136 = tpu.memref_slice %arg4[%mul3A_133, %mul3A_135] : memref<16384x4160xf32, #tpu.memory_space<hbm>> -> memref<256x128xf32, #tpu.memory_space<hbm>>
      %dma_start3A_137 = tpu.memref_slice %arg4[%mul3A_133, %mul3A_135] : memref<16384x4160xf32, #tpu.memory_space<hbm>> -> memref<256x128xf32, #tpu.memory_space<hbm>>
      tpu.enqueue_dma source(%arg7 : memref<256x128xf32, #tpu.memory_space<vmem>>) target(%dma_start3A_137 : memref<256x128xf32, #tpu.memory_space<hbm>>) target_semaphore(%arg11 : memref<!tpu.dma_semaphore, #tpu.memory_space<semaphore_mem>>)
      %mul3A_138 = arith.constant 2 : i32
      %mul3A_139 = arith.muli %mul3A_138, %scan3A_86 : i32
      %add3A_140 = arith.constant 1 : i32
      %add3A_141 = arith.addi %mul3A_139, %add3A_140 : i32
      %dma_wait3A_142 = arith.constant 0 : i32
      %dma_wait3A_143 = arith.constant 0 : i32
      %dma_wait3A_144 = tpu.memref_slice %arg4[%dma_wait3A_142, %dma_wait3A_143] : memref<16384x4160xf32, #tpu.memory_space<hbm>> -> memref<256x128xf32, #tpu.memory_space<hbm>>
      %dma_wait3A_145 = arith.constant 0 : i32
      %dma_wait3A_146 = arith.constant 0 : i32
      %dma_wait3A_147 = tpu.memref_slice %arg4[%dma_wait3A_145, %dma_wait3A_146] : memref<16384x4160xf32, #tpu.memory_space<hbm>> -> memref<256x128xf32, #tpu.memory_space<hbm>>
      tpu.wait_dma2 semaphore(%arg11 : memref<!tpu.dma_semaphore, #tpu.memory_space<semaphore_mem>>) src(%arg7 : memref<256x128xf32, #tpu.memory_space<vmem>>) dst(%dma_wait3A_147 : memref<256x128xf32, #tpu.memory_space<hbm>>)
      %mul3A_148 = arith.constant 256 : i32
      %mul3A_149 = arith.muli %add3A_141, %mul3A_148 : i32
      %add3A_150 = arith.constant 0 : i32
      %add3A_151 = arith.addi %mul3A_149, %add3A_150 : i32
      %dma_start3A_152 = arith.constant 0 : i32
      %dma_start3A_153 = arith.constant 0 : i32
      %dma_start3A_154 = tpu.memref_slice %arg7[%dma_start3A_152, %dma_start3A_153] : memref<256x128xf32, #tpu.memory_space<vmem>> -> memref<128x128xf32, #tpu.memory_space<vmem>>
      %dma_start3A_155 = tpu.memref_slice %arg5[%add3A_151] : memref<16384xi32, #tpu.memory_space<vmem>> -> memref<128xi32, #tpu.memory_space<vmem>>
      %dma_start3A_156 = arith.constant 0 : i32
      %dma_start3A_157 = arith.constant 0 : i32
      %dma_start3A_158 = tpu.memref_slice %arg2[%dma_start3A_156, %dma_start3A_157] : memref<100000x128xf32, #tpu.memory_space<hbm>> -> memref<100000x128xf32, #tpu.memory_space<hbm>>
      tpu.enqueue_indirect_dma source(%dma_start3A_158 : memref<100000x128xf32, #tpu.memory_space<hbm>>) target(%dma_start3A_154 : memref<128x128xf32, #tpu.memory_space<vmem>>) offsets(%dma_start3A_155 : memref<128xi32, #tpu.memory_space<vmem>>) semaphore(%arg9 : memref<!tpu.dma_semaphore, #tpu.memory_space<semaphore_mem>>)
      %mul3A_159 = arith.constant 256 : i32
      %mul3A_160 = arith.muli %add3A_141, %mul3A_159 : i32
      %add3A_161 = arith.constant 128 : i32
      %add3A_162 = arith.addi %mul3A_160, %add3A_161 : i32
      %dma_start3A_163 = arith.constant 128 : i32
      %dma_start3A_164 = arith.constant 0 : i32
      %dma_start3A_165 = tpu.memref_slice %arg7[%dma_start3A_163, %dma_start3A_164] : memref<256x128xf32, #tpu.memory_space<vmem>> -> memref<128x128xf32, #tpu.memory_space<vmem>>
      %dma_start3A_166 = tpu.memref_slice %arg5[%add3A_162] : memref<16384xi32, #tpu.memory_space<vmem>> -> memref<128xi32, #tpu.memory_space<vmem>>
      %dma_start3A_167 = arith.constant 0 : i32
      %dma_start3A_168 = arith.constant 0 : i32
      %dma_start3A_169 = tpu.memref_slice %arg2[%dma_start3A_167, %dma_start3A_168] : memref<100000x128xf32, #tpu.memory_space<hbm>> -> memref<100000x128xf32, #tpu.memory_space<hbm>>
      tpu.enqueue_indirect_dma source(%dma_start3A_169 : memref<100000x128xf32, #tpu.memory_space<hbm>>) target(%dma_start3A_165 : memref<128x128xf32, #tpu.memory_space<vmem>>) offsets(%dma_start3A_166 : memref<128xi32, #tpu.memory_space<vmem>>) semaphore(%arg9 : memref<!tpu.dma_semaphore, #tpu.memory_space<semaphore_mem>>)
      %dma_wait3A_170 = arith.constant 0 : i32
      %dma_wait3A_171 = arith.constant 0 : i32
      %dma_wait3A_172 = tpu.memref_slice %arg6[%dma_wait3A_170, %dma_wait3A_171] : memref<256x128xf32, #tpu.memory_space<vmem>> -> memref<256x128xf32, #tpu.memory_space<vmem>>
      %dma_wait3A_173 = arith.constant 0 : i32
      %dma_wait3A_174 = arith.constant 0 : i32
      %dma_wait3A_175 = tpu.memref_slice %arg2[%dma_wait3A_173, %dma_wait3A_174] : memref<100000x128xf32, #tpu.memory_space<hbm>> -> memref<256x128xf32, #tpu.memory_space<hbm>>
      %dma_wait3A_176 = arith.constant 0 : i32
      %dma_wait3A_177 = arith.constant 0 : i32
      %dma_wait3A_178 = tpu.memref_slice %arg6[%dma_wait3A_176, %dma_wait3A_177] : memref<256x128xf32, #tpu.memory_space<vmem>> -> memref<256x128xf32, #tpu.memory_space<vmem>>
      %dma_wait3A_179 = arith.constant 0 : i32
      %dma_wait3A_180 = arith.constant 0 : i32
      %dma_wait3A_181 = tpu.memref_slice %arg2[%dma_wait3A_179, %dma_wait3A_180] : memref<100000x128xf32, #tpu.memory_space<hbm>> -> memref<256x128xf32, #tpu.memory_space<hbm>>
      tpu.wait_dma2 semaphore(%arg8 : memref<!tpu.dma_semaphore, #tpu.memory_space<semaphore_mem>>) src(%dma_wait3A_181 : memref<256x128xf32, #tpu.memory_space<hbm>>) dst(%dma_wait3A_178 : memref<256x128xf32, #tpu.memory_space<vmem>>)
      %sub3A_182 = arith.constant 1 : i32
      %sub3A_183 = arith.subi %add3A_141, %sub3A_182 : i32
      %mul3A_184 = arith.constant 256 : i32
      %mul3A_185 = arith.muli %sub3A_183, %mul3A_184 : i32
      %mul3A_186 = arith.constant 128 : i32
      %mul3A_187 = arith.muli %add3A, %mul3A_186 : i32
      %dma_start3A_188 = tpu.memref_slice %arg4[%mul3A_185, %mul3A_187] : memref<16384x4160xf32, #tpu.memory_space<hbm>> -> memref<256x128xf32, #tpu.memory_space<hbm>>
      %dma_start3A_189 = tpu.memref_slice %arg4[%mul3A_185, %mul3A_187] : memref<16384x4160xf32, #tpu.memory_space<hbm>> -> memref<256x128xf32, #tpu.memory_space<hbm>>
      tpu.enqueue_dma source(%arg6 : memref<256x128xf32, #tpu.memory_space<vmem>>) target(%dma_start3A_189 : memref<256x128xf32, #tpu.memory_space<hbm>>) target_semaphore(%arg10 : memref<!tpu.dma_semaphore, #tpu.memory_space<semaphore_mem>>)
    }
    %scan3A_55 = arith.constant 31 : i32
    %dma_wait3A_56 = arith.constant 0 : i32
    %dma_wait3A_57 = arith.constant 0 : i32
    %dma_wait3A_58 = tpu.memref_slice %arg7[%dma_wait3A_56, %dma_wait3A_57] : memref<256x128xf32, #tpu.memory_space<vmem>> -> memref<256x128xf32, #tpu.memory_space<vmem>>
    %dma_wait3A_59 = arith.constant 0 : i32
    %dma_wait3A_60 = arith.constant 0 : i32
    %dma_wait3A_61 = tpu.memref_slice %arg2[%dma_wait3A_59, %dma_wait3A_60] : memref<100000x128xf32, #tpu.memory_space<hbm>> -> memref<256x128xf32, #tpu.memory_space<hbm>>
    %dma_wait3A_62 = arith.constant 0 : i32
    %dma_wait3A_63 = arith.constant 0 : i32
    %dma_wait3A_64 = tpu.memref_slice %arg7[%dma_wait3A_62, %dma_wait3A_63] : memref<256x128xf32, #tpu.memory_space<vmem>> -> memref<256x128xf32, #tpu.memory_space<vmem>>
    %dma_wait3A_65 = arith.constant 0 : i32
    %dma_wait3A_66 = arith.constant 0 : i32
    %dma_wait3A_67 = tpu.memref_slice %arg2[%dma_wait3A_65, %dma_wait3A_66] : memref<100000x128xf32, #tpu.memory_space<hbm>> -> memref<256x128xf32, #tpu.memory_space<hbm>>
    tpu.wait_dma2 semaphore(%arg9 : memref<!tpu.dma_semaphore, #tpu.memory_space<semaphore_mem>>) src(%dma_wait3A_67 : memref<256x128xf32, #tpu.memory_space<hbm>>) dst(%dma_wait3A_64 : memref<256x128xf32, #tpu.memory_space<vmem>>)
    %mul3A_68 = arith.constant 128 : i32
    %mul3A_69 = arith.muli %add3A, %mul3A_68 : i32
    %dma_start3A_70 = arith.constant 16128 : i32
    %dma_start3A_71 = tpu.memref_slice %arg4[%dma_start3A_70, %mul3A_69] : memref<16384x4160xf32, #tpu.memory_space<hbm>> -> memref<256x128xf32, #tpu.memory_space<hbm>>
    %dma_start3A_72 = arith.constant 16128 : i32
    %dma_start3A_73 = tpu.memref_slice %arg4[%dma_start3A_72, %mul3A_69] : memref<16384x4160xf32, #tpu.memory_space<hbm>> -> memref<256x128xf32, #tpu.memory_space<hbm>>
    tpu.enqueue_dma source(%arg7 : memref<256x128xf32, #tpu.memory_space<vmem>>) target(%dma_start3A_73 : memref<256x128xf32, #tpu.memory_space<hbm>>) target_semaphore(%arg11 : memref<!tpu.dma_semaphore, #tpu.memory_space<semaphore_mem>>)
    %dma_wait3A_74 = arith.constant 0 : i32
    %dma_wait3A_75 = arith.constant 0 : i32
    %dma_wait3A_76 = tpu.memref_slice %arg4[%dma_wait3A_74, %dma_wait3A_75] : memref<16384x4160xf32, #tpu.memory_space<hbm>> -> memref<256x128xf32, #tpu.memory_space<hbm>>
    %dma_wait3A_77 = arith.constant 0 : i32
    %dma_wait3A_78 = arith.constant 0 : i32
    %dma_wait3A_79 = tpu.memref_slice %arg4[%dma_wait3A_77, %dma_wait3A_78] : memref<16384x4160xf32, #tpu.memory_space<hbm>> -> memref<256x128xf32, #tpu.memory_space<hbm>>
    tpu.wait_dma2 semaphore(%arg10 : memref<!tpu.dma_semaphore, #tpu.memory_space<semaphore_mem>>) src(%arg6 : memref<256x128xf32, #tpu.memory_space<vmem>>) dst(%dma_wait3A_79 : memref<256x128xf32, #tpu.memory_space<hbm>>)
    %dma_wait3A_80 = arith.constant 0 : i32
    %dma_wait3A_81 = arith.constant 0 : i32
    %dma_wait3A_82 = tpu.memref_slice %arg4[%dma_wait3A_80, %dma_wait3A_81] : memref<16384x4160xf32, #tpu.memory_space<hbm>> -> memref<256x128xf32, #tpu.memory_space<hbm>>
    %dma_wait3A_83 = arith.constant 0 : i32
    %dma_wait3A_84 = arith.constant 0 : i32
    %dma_wait3A_85 = tpu.memref_slice %arg4[%dma_wait3A_83, %dma_wait3A_84] : memref<16384x4160xf32, #tpu.memory_space<hbm>> -> memref<256x128xf32, #tpu.memory_space<hbm>>
    tpu.wait_dma2 semaphore(%arg11 : memref<!tpu.dma_semaphore, #tpu.memory_space<semaphore_mem>>) src(%arg7 : memref<256x128xf32, #tpu.memory_space<vmem>>) dst(%dma_wait3A_85 : memref<256x128xf32, #tpu.memory_space<hbm>>)
    return
  }
}

</mosaic_0001>

<sc_bundles>
// kernel: kernel.3.cloned.1.call-start
scs
__scs_entry_jumppad:
0x0: {  	(pc) =	sbr.rel $0x88, $3  }
0x1: {  	(tag) =	ssettag $0x0;
	lr =	simm.s32 $0x1  }
0x2: {  	[smem:$0x3F9D] =	sst lr;
	_ =	strace $0xD0000000  }
0x3: {  	_ = 	snop  }
0x4: {  	_ = 	snop  }
0x5: {  	_ = 	snop  }
0x6: {  	_ = 	snop  }
0x7: {  	_ = 	snop  }
__scs_overlays_trampoline_lowered:
0x8: {  	[smem:$0x3FAC] =	sst s0  }
0x9: {  	[smem:$0x3FAD] =	sst s1  }
0xa: {  	[smem:$0x3FAE] =	sst s2  }
0xb: {  	[smem:$0x3FAF] =	sst s3  }
0xc: {  	[smem:$0x3FB0] =	sst s4  }
0xd: {  	[smem:$0x3FB1] =	sst s5  }
0xe: {  	[smem:$0x3FB2] =	sst s6  }
0xf: {  	[smem:$0x3FB3] =	sst s7  }
0x10: {  	[smem:$0x3FB4] =	sst s8  }
0x11: {  	[smem:$0x3FB5] =	sst s9;
	s0 =	simm.s32 @!p0 $0x0  }
0x12: {  	s1 =	sld [smem:$0x3F9B];
	s0 =	simm.s32 @p0 $0x1  }
0x13: {  	[smem:$0x3FB6] =	sst s0;
	s0 =	simm.s32 @!p1 $0x0  }
0x14: {  	s2 =	sld [smem:$0x3F9A];
	s0 =	simm.s32 @p1 $0x1  }
0x15: {  	[smem:$0x3FB7] =	sst s0;
	s0 =	simm.s32 @!p2 $0x0  }
0x16: {  	s3 =	sld [smem:$0x3FDB];
	s0 =	simm.s32 @p2 $0x1  }
0x17: {  	s4 =	simm.s32 $0x1BF5;
	[smem:$0x3FB9] =	sst s0  }
0x18: {  	s0 =	sld [smem:$0x3F9C];
	_ =	swait.ge [sflag:s4], $0x0  }
0x19: {  	s7 =	sld [smem:$0x3F9D]  }
0x1a: {  	s8 =	sadd.s32 $0xFFFFE003, lr  }
0x1b: {  	s9 =	sadd.s32 $0xFFFFFEF7, lr;
	s5 =	simm.s32 $0xFFFFFFFF;
	p2 =	slt.u32 s8, $0xFFFFF086  }
0x1c: {  	p1 =	slt.u32 s9, $0xF7A;
	s5 =	simm.s32 @!p2 $0x0  }
0x1d: {  	s5 =	simm.s32 @p1 $0x1;
	p0 =	seq.s32 s7, s2  }
0x1e: {  	s7 =	smul.u32 @!p0 $0xF7A, s2;
	p2 =	seq.s32 @!p0 s5, $0x0  }
0x1f: {  	s9 =	smul.u32 $0xF7A, s1;
	s8 =	simm.s32 @!p0 $0x1BF5;
	p2 =	por !p2, p0  }
0x20: {  	[sflag:s8] =	ssyncset.s32 @!p0 $0xFFFFF086;
	s6 =	sadd.s32 @!p0 s3, s7;
	s7 =	simm.s32 @!p0 $0x108  }
0x21: {  	s3 =	sadd.s32 s3, s9;
	s6 =	sadd.s32 @!p0 $0x88, s6;
	s7 =	simm.s32 @p2 $0x1082  }
0x22: {  	[simem:s7], [sflag:s8] =	dma.local @!p0 [hbm:s6], $0xF7A  }
0x23: {  	s9 =	sor.u32 $0xD0000000, s2;
	s6 =	simm.s32 $0x108;
	_ =	swait.ge @!p0 [sflag:s8], $0x0  }
0x24: {  	s3 =	sadd.s32 $0x88, s3;
	s6 =	simm.s32 @!p1 $0x1082;
	[sflag:s4] =	ssyncset.s32 $0xFFFFF086  }
0x25: {  	[simem:s6], [sflag:s4] =	dma.local [hbm:s3], $0xF7A  }
0x26: {  	[smem:$0x3F9D] =	sst s1;
	(tag) =	ssettag s2;
	_ =	strace s9  }
0x27: {  	s1 =	sld [smem:$0x3FAD]  }
0x28: {  	s2 =	sld [smem:$0x3FAE]  }
0x29: {  	s4 =	sld [smem:$0x3FB0]  }
0x2a: {  	p0 =	seq.s32 s5, $0x0;
	s5 =	sld [smem:$0x3FB1]  }
0x2b: {  	s6 =	sld [smem:$0x3FB2]  }
0x2c: {  	s7 =	sld [smem:$0x3FB3]  }
0x2d: {  	s3 =	simm.s32 $0x108;
	s8 =	sld [smem:$0x3FB4]  }
0x2e: {  	s3 =	simm.s32 @!p0 $0x1082;
	s9 =	sld [smem:$0x3FB5]  }
0x2f: {  	lr =	sadd.s32 s0, s3;
	s0 =	sld [smem:$0x3FAC]  }
0x30: {  	s3 =	sld [smem:$0x3FAF]  }
0x31: {  	[smem:$0x3FB8] =	sst s10  }
0x32: {  	s10 =	sld [smem:$0x3FB6];
	_ =	sdelay $0x3  }
0x33: {  	p0 =	seq.s32 s10, $0x1;
	s10 =	sld [smem:$0x3FB8];
	_ =	sdelay $0x3  }
0x34: {  	[smem:$0x3FB8] =	sst s10  }
0x35: {  	s10 =	sld [smem:$0x3FB7];
	_ =	sdelay $0x3  }
0x36: {  	p1 =	seq.s32 s10, $0x1;
	s10 =	sld [smem:$0x3FB8];
	_ =	sdelay $0x3  }
0x37: {  	[smem:$0x3FB8] =	sst s10  }
0x38: {  	s10 =	sld [smem:$0x3FB9]  }
0x39: {  	_ = 	snop;
	(pc) =	sbr.ind lr, $3  }
0x3a: {  	_ = 	snop  }
0x3b: {  	_ = 	snop  }
0x3c: {  	p2 =	seq.s32 s10, $0x1;
	s10 =	sld [smem:$0x3FB8]  }
0x3d: {  	_ =	shalt  }
0x3e: {  	_ =	shalt  }
0x3f: {  	_ =	shalt  }
0x40: {  	_ =	shalt  }
0x41: {  	_ =	shalt  }
0x42: {  	_ =	shalt  }
0x43: {  	_ =	shalt  }
0x44: {  	_ =	shalt  }
0x45: {  	_ =	shalt  }
0x46: {  	_ =	shalt  }
0x47: {  	_ =	shalt  }
0x48: {  	_ =	shalt  }
0x49: {  	_ =	shalt  }
0x4a: {  	_ =	shalt  }
0x4b: {  	_ =	shalt  }
0x4c: {  	_ =	shalt  }
0x4d: {  	_ =	shalt  }
0x4e: {  	_ =	shalt  }
0x4f: {  	_ =	shalt  }
0x50: {  	_ =	shalt  }
0x51: {  	_ =	shalt  }
0x52: {  	_ =	shalt  }
0x53: {  	_ =	shalt  }
0x54: {  	_ =	shalt  }
0x55: {  	_ =	shalt  }
0x56: {  	_ =	shalt  }
0x57: {  	_ =	shalt  }
0x58: {  	_ =	shalt  }
0x59: {  	_ =	shalt  }
0x5a: {  	_ =	shalt  }
0x5b: {  	_ =	shalt  }
0x5c: {  	_ =	shalt  }
0x5d: {  	_ =	shalt  }
0x5e: {  	_ =	shalt  }
0x5f: {  	_ =	shalt  }
0x60: {  	_ =	shalt  }
0x61: {  	_ =	shalt  }
0x62: {  	_ =	shalt  }
0x63: {  	_ =	shalt  }
0x64: {  	_ =	shalt  }
0x65: {  	_ =	shalt  }
0x66: {  	_ =	shalt  }
0x67: {  	_ =	shalt  }
0x68: {  	_ =	shalt  }
0x69: {  	_ =	shalt  }
0x6a: {  	_ =	shalt  }
0x6b: {  	_ =	shalt  }
0x6c: {  	_ =	shalt  }
0x6d: {  	_ =	shalt  }
0x6e: {  	_ =	shalt  }
0x6f: {  	_ =	shalt  }
0x70: {  	_ =	shalt  }
0x71: {  	_ =	shalt  }
0x72: {  	_ =	shalt  }
0x73: {  	_ =	shalt  }
0x74: {  	_ =	shalt  }
0x75: {  	_ =	shalt  }
0x76: {  	_ =	shalt  }
0x77: {  	_ =	shalt  }
0x78: {  	_ =	shalt  }
0x79: {  	_ =	shalt  }
0x7a: {  	_ =	shalt  }
0x7b: {  	_ =	shalt  }
0x7c: {  	_ =	shalt  }
0x7d: {  	_ =	shalt  }
0x7e: {  	_ =	shalt  }
0x7f: {  	_ =	shalt  }
0x80: {  	_ =	shalt  }
0x81: {  	_ =	shalt  }
0x82: {  	_ =	shalt  }
0x83: {  	_ =	shalt  }
0x84: {  	_ =	shalt  }
0x85: {  	_ =	shalt  }
0x86: {  	_ =	shalt  }
0x87: {  	_ =	shalt  }
.Lfunc_end0:
.L_simem_size_0:
called_computation.1_lowered:
.L_overlay_start_0:
0x88: {  	s2 =	sld [smem:$0x3FD9]  }
0x89: {  	s3 =	sld [smem:$0x3FFE];
	_ =	sdelay $0x1  }
0x8a: {  	s1 =	srdreg.scid  }
0x8b: {  	s0 =	sand.u32 $0x1, s1  }
0x8c: {  	s17 =	sshll.u32 s0, $0xA;
	s2 =	sadd.s32 s3, s2  }
0x8d: {  	s2 =	sadd.s32 s2, s17  }
0x8e: {  	[smem:$0x3FC4] =	sst s2  }
0x8f: {  	_ = 	snop  }
0x90: {  	s2 =	sld [smem:$0x3FC9]  }
0x91: {  	s18 =	sld [smem:$0x3FD0];
	(tm) =	ssettm $0x1  }
0x92: {  	s4 =	sld [smem:$0x3FFB];
	_ =	sdelay $0x3  }
0x93: {  	_ =	strace s4  }
0x94: {  	s4 =	sld [smem:$0x3FFC];
	_ =	sdelay $0x3  }
0x95: {  	_ =	strace s4  }
0x96: {  	s4 =	sld [smem:$0x3FFD];
	_ =	sdelay $0x3  }
0x97: {  	_ =	strace s4  }
0x98: {  	_ =	strace $0x8FFFFFFF  }
0x99: {  	s19 =	sld [smem:$0x3FDB];
	_ =	sdelay $0x1  }
0x9a: {  	s5 =	simm.s32 $_scs_section_size  }
0x9b: {  	s6 =	simm.s32 $_size__tile_overlayer_lowered;
	s7 =	simm.s32 $_tile_overlayer_lowered  }
0x9c: {  	s22 =	simm.s32 $0x1BFF;
	s21 =	sshll.u32 s7, $0x1;
	s4 =	sadd.s32 s5, s19  }
0x9d: {  	s8 =	simm.s32 $0x0;
	s20 =	sshll.u32 s6, $0x1;
	s6 =	sadd.s32 s21, s4  }
0x9e: {  	[timem:s8], [sflag:s22] =	dma.local [hbm:s6], s20  }
0x9f: {  	_ =	swait.ge [sflag:s22], s20  }
0xa0: {  	s5 =	ssub.s32 $0x0, s20;
	[sflag:s22] =	ssyncset.done $0x0  }
0xa1: {  	[sflag:s22] =	ssyncadd.s32 s5;
	_ =	sdelay $0x1  }
0xa2: {  	s23 =	simm.s32 $0x1B8B  }
0xa3: {  	_ =	swait.ge [sflag:s23], $0x1  }
0xa4: {  	[sflag:s23] =	ssyncset.done $0x0  }
0xa5: {  	s25 =	simm.s32 $0x1B8E;
	s24 =	sld [smem:$0x3FFE];
	[sflag:s23] =	ssyncadd.s32 $0xFFFFFFFF  }
0xa6: {  	s26 =	simm.s32 $execute0_lowered;
	[smem:$0x3FD2] =	sst s25  }
0xa7: {  	s6 =	sshll.u32 s26, $0x1;
	_ =	strace $0x80000046;
	[dreg:$0x1] =	wrdreg $0xFFFFFFFF  }
0xa8: {  	s28 =	simm.s32 $_size_execute0_lowered;
	s4 =	sadd.s32 s4, s6;
	[dreg:$0x0] =	wrdreg $0x0  }
0xa9: {  	s6 =	sshll.u32 s28, $0x1;
	[dreg:$0x2] =	wrdreg s4  }
0xaa: {  	[dreg:$0x3] =	wrdreg s6  }
0xab: {  	[dreg:$0x4] =	wrdreg $0xC0  }
0xac: {  	_ =	task [dreg:s8], $0x5FFFF  }
0xad: {  	[dreg:$0x1] =	wrdreg $0xFFFFFFFF  }
0xae: {  	[dreg:$0x0] =	wrdreg $0x60  }
0xaf: {  	[dreg:$0x2] =	wrdreg s2  }
0xb0: {  	[dreg:$0x3] =	wrdreg s18  }
0xb1: {  	[dreg:$0x4] =	wrdreg s24  }
0xb2: {  	[dreg:$0x5] =	wrdreg $0x9  }
0xb3: {  	_ =	task.clear_ibuf [dreg:s8], $0x6FFFF;
	_ =	strace $0x90000046  }
0xb4: {  	s29 =	simm.s32 $0x9;
	_ =	strace $0x80000048  }
0xb5: {  	_ =	swait.ge [sflag:s29], $0x1  }
0xb6: {  	[sflag:s29] =	ssyncadd.s32 $0xFFFFFFFF  }
0xb7: {  	_ =	strace $0x90000048  }
0xb8: {  	_ =	sfence  }
0xb9: {  	s30 =	sld [smem:$0x0];
	_ =	sdelay $0x2  }
0xba: {  	s31 =	sshll.u32 s1, $0xD;
	s1 =	sshrl.u32 s1, $0x2  }
0xbb: {  	s3 =	sand.u32 $0x4000, s31;
	s1 =	sadd.s32 s1, s30  }
0xbc: {  	s0 =	sor.u32 s3, s0;
	s1 =	sshll.u32 s1, $0x11  }
0xbd: {  	s0 =	sor.u32 s1, s0  }
0xbe: {  	s0 =	sadd.s32 $0x8F2B, s0  }
0xbf: {  	[sflag:s0] =	ssyncadd.remote.s32 $0x1  }
0xc0: {  	_ =	sfence.sel $0xFFFF  }
0xc1: {  	[dreg:$0x0] =	wrdreg $0xFFFFFFFF;
	(pc) =	sbr.abs _section_cstart, $3  }
0xc2: {  	[dreg:$0x1] =	wrdreg $0xFFFFFFFF  }
0xc3: {  	_ =	task.clear_ibuf [dreg:s8], $0x2FFFF;
	_ =	strace $0x9FFFFFFF  }
0xc4: {  	(tm) =	ssettm $0x7FFFFFFF  }
0xc5: {  	_ =	shalt  }
tec
execute0_lowered:
.L_overlay_start_1:
0x0: {  	(tag) =	ssettag $0x1  }
0x1: {  	s1 =	rddreg [dreg:$0x0]  }
0x2: {  	s6 =	rddreg [dreg:$0x1]  }
0x3: {  	s4 =	rddreg [dreg:$0x2]  }
0x4: {  	s0 =	rddreg [dreg:$0x3];
	s2 =	simm.s32 $0x0  }
0x5: {  	s3 =	srdreg.scid;
	s12 =	simm.s32 $0x80;
	s13 =	simm.s32 $0x4000  }
0x6: {  	s14 =	simm.s32 $0x8000;
	s15 =	simm.s32 $0x100;
	s16 =	simm.s32 $0xC000  }
0x7: {  	s17 =	simm.s32 $0x180;
	s18 =	simm.s32 $0x10000;
	s19 =	simm.s32 $0x1  }
0x8: {  	s20 =	simm.s32 $0x400;
	s21 =	simm.s32 $0x8400;
	s22 =	simm.s32 $0x3  }
0x9: {  	s23 =	simm.s32 $0x2;
	s24 =	simm.s32 $0x4;
	s25 =	simm.s32 $0x0  }
0xa: {  	[smem:$0x7FF] =	sst s2;
	s5 =	sand.u32 $0x1, s3;
	s3 =	stileid.u32  }
0xb: {  	s4 =	sadd.s32 $0xC00, s4;
	_ =	strace $0x80000047;
	s7 =	ssub.s32 $0x2, s5  }
0xc: {  	s9 =	sshll.u32 s3, $0x1;
	s10 =	sshll.u32 s3, $0xB;
	s8 =	sshrl.u32 s7, $0x1  }
0xd: {  	s9 =	sor.u32 s5, s9;
	s5 =	sshll.u32 s5, $0xA;
	s8 =	ssub.s32 s7, s8  }
0xe: {  	s30 =	sshll.u32 s9, $0x7;
	s10 =	sor.u32 s5, s10;
	s9 =	sshll.u32 s9, $0xB  }
0xf: {  	s5 =	sadd.s32 s4, s30;
	s11 =	sor.u32 $0x108000, s10;
	s6 =	sadd.s32 s6, s9  }
0x10: {  	s8 =	smax.u32 s8, $0x1;
	s10 =	sor.u32 $0x210000, s10;
	s31 =	sshrl.u32 s11, $0x3  }
0x11: {  	s7 =	sadd.s32 $0x81F000, s5;
	s11 =	simm.s32 $0x5;
	s9 =	sadd.s32 s31, s4  }
.LBB2_1:
0x12: {  	[tilespmem:s2], [sflag:$0x5] =	stream.linear.gather [hbm4b:s6+s2], $0x4000, $0x38;
	[tilespmem:$0x14000] =	vst v63  }
0x13: {  	_ =	swait.ge [sflag:s11], $0x4000  }
0x14: {  	[sflag:s11] =	ssyncset.done $0x0  }
0x15: {  	[sflag:s11] =	ssyncadd.s32 $0xFFFFC000  }
0x16: {  	[tilespmem:s13], [sflag:$0x1] =	stream.indirect.gather [hbm4b:s1+s12], $0x80, s2, s12, $0xb8;
	[tilespmem:$0x14000] =	vst v63  }
0x17: {  	_ = 	snop  }
0x18: {  	[tilespmem:s14], [sflag:$0x1] =	stream.indirect.gather [hbm4b:s1+s12], $0x80, s12, s12, $0xb8;
	[tilespmem:$0x14000] =	vst v63  }
0x19: {  	_ = 	snop  }
0x1a: {  	[tilespmem:s16], [sflag:$0x2] =	stream.indirect.gather [hbm4b:s1+s12], $0x80, s15, s12, $0xb8;
	[tilespmem:$0x14000] =	vst v63  }
0x1b: {  	_ = 	snop  }
0x1c: {  	[tilespmem:s18], [sflag:$0x2] =	stream.indirect.gather [hbm4b:s1+s12], $0x80, s17, s12, $0xb8;
	[tilespmem:$0x14000] =	vst v63  }
0x1d: {  	_ =	swait.ge [sflag:s19], $0x8000  }
0x1e: {  	[sflag:s19] =	ssyncset.done $0x0  }
0x1f: {  	[sflag:s19] =	ssyncadd.s32 $0xFFFF8000  }
0x20: {  	[hbm4b:s5+s20] =	stream.strided.scatter [tilespmem:s13], [sflag:$0x3], $0x8000, s21, s20, $0x38;
	[tilespmem:$0x14000] =	vst v63  }
0x21: {  	_ =	swait.ge [sflag:s22], $0x8000  }
0x22: {  	[sflag:s22] =	ssyncset.done $0x0  }
0x23: {  	s26 =	simm.s32 $0x200;
	[sflag:s22] =	ssyncadd.s32 $0xFFFF8000  }
0x24: {  	[tilespmem:s13], [sflag:$0x1] =	stream.indirect.gather [hbm4b:s1+s12], $0x80, s26, s12, $0xb8;
	[tilespmem:$0x14000] =	vst v63  }
0x25: {  	s31 =	simm.s32 $0x280  }
0x26: {  	[tilespmem:s14], [sflag:$0x1] =	stream.indirect.gather [hbm4b:s1+s12], $0x80, s31, s12, $0xb8;
	[tilespmem:$0x14000] =	vst v63  }
0x27: {  	_ =	swait.ge [sflag:s23], $0x8000  }
0x28: {  	[sflag:s23] =	ssyncset.done $0x0  }
0x29: {  	[sflag:s23] =	ssyncadd.s32 $0xFFFF8000  }
0x2a: {  	[hbm4b:s9+s20] =	stream.strided.scatter [tilespmem:s16], [sflag:$0x4], $0x8000, s21, s20, $0x38;
	[tilespmem:$0x14000] =	vst v63  }
0x2b: {  	_ =	swait.ge [sflag:s24], $0x8000  }
0x2c: {  	[sflag:s24] =	ssyncset.done $0x0  }
0x2d: {  	s31 =	simm.s32 $0x300;
	[sflag:s24] =	ssyncadd.s32 $0xFFFF8000  }
0x2e: {  	[tilespmem:s16], [sflag:$0x2] =	stream.indirect.gather [hbm4b:s1+s12], $0x80, s31, s12, $0xb8;
	[tilespmem:$0x14000] =	vst v63  }
0x2f: {  	s31 =	simm.s32 $0x380  }
0x30: {  	[tilespmem:s18], [sflag:$0x2] =	stream.indirect.gather [hbm4b:s1+s12], $0x80, s31, s12, $0xb8;
	[tilespmem:$0x14000] =	vst v63  }
0x31: {  	s29 =	sshrl.u32 s10, $0x3;
	_ =	swait.ge [sflag:s19], $0x8000  }
0x32: {  	s28 =	sadd.s32 $0x210000, s10;
	s30 =	sadd.s32 s4, s29;
	[sflag:s19] =	ssyncset.done $0x0  }
0x33: {  	s29 =	sadd.s32 $0x42000, s9;
	s26 =	simm.s32 $0x800;
	[sflag:s19] =	ssyncadd.s32 $0xFFFF8000  }
.LBB2_2:
0x34: {  	[hbm4b:s30+s20] =	stream.strided.scatter [tilespmem:s13], [sflag:$0x3], $0x8000, s21, s20, $0x38;
	[tilespmem:$0x14000] =	vst v63  }
0x35: {  	s30 =	smov.u32 s26  }
0x36: {  	p0 =	sne.s32 s26, $0xF000;
	s26 =	sadd.s32 $0x800, s26;
	_ =	swait.ge [sflag:s22], $0x8000  }
0x37: {  	s30 =	sshra.s32 s30, $0x2;
	[sflag:s22] =	ssyncset.done $0x0  }
0x38: {  	s31 =	sadd.s32 $0x200, s30;
	[sflag:s22] =	ssyncadd.s32 $0xFFFF8000  }
0x39: {  	[tilespmem:s13], [sflag:$0x1] =	stream.indirect.gather [hbm4b:s1+s12], $0x80, s31, s12, $0xb8;
	[tilespmem:$0x14000] =	vst v63  }
0x3a: {  	s31 =	sadd.s32 $0x280, s30  }
0x3b: {  	[tilespmem:s14], [sflag:$0x1] =	stream.indirect.gather [hbm4b:s1+s12], $0x80, s31, s12, $0xb8;
	[tilespmem:$0x14000] =	vst v63  }
0x3c: {  	_ =	swait.ge [sflag:s23], $0x8000  }
0x3d: {  	[sflag:s23] =	ssyncset.done $0x0  }
0x3e: {  	[sflag:s23] =	ssyncadd.s32 $0xFFFF8000  }
0x3f: {  	[hbm4b:s29+s20] =	stream.strided.scatter [tilespmem:s16], [sflag:$0x4], $0x8000, s21, s20, $0x38;
	[tilespmem:$0x14000] =	vst v63  }
0x40: {  	_ =	swait.ge [sflag:s24], $0x8000  }
0x41: {  	[sflag:s24] =	ssyncset.done $0x0  }
0x42: {  	s31 =	sadd.s32 $0x300, s30;
	[sflag:s24] =	ssyncadd.s32 $0xFFFF8000  }
0x43: {  	[tilespmem:s16], [sflag:$0x2] =	stream.indirect.gather [hbm4b:s1+s12], $0x80, s31, s12, $0xb8;
	[tilespmem:$0x14000] =	vst v63  }
.Ltmp0:
0x44: {  	s30 =	sadd.s32 $0x380, s30;
	(pc) =	sbr.rel @p0 .LBB2_2-.Ltmp0, $4  }
0x45: {  	[tilespmem:s18], [sflag:$0x2] =	stream.indirect.gather [hbm4b:s1+s12], $0x80, s30, s12, $0xb8;
	[tilespmem:$0x14000] =	vst v63  }
0x46: {  	_ =	swait.ge [sflag:s19], $0x8000  }
0x47: {  	s30 =	sshrl.u32 s28, $0x3;
	s28 =	sadd.s32 $0x210000, s28;
	[sflag:s19] =	ssyncset.done $0x0  }
0x48: {  	s29 =	sadd.s32 $0x42000, s29;
	s30 =	sadd.s32 s4, s30;
	[sflag:s19] =	ssyncadd.s32 $0xFFFF8000  }
0x49: {  	[hbm4b:s30+s20] =	stream.strided.scatter [tilespmem:s13], [sflag:$0x3], $0x8000, s21, s20, $0x38;
	[tilespmem:$0x14000] =	vst v63  }
0x4a: {  	_ =	swait.ge [sflag:s23], $0x8000  }
0x4b: {  	[sflag:s23] =	ssyncset.done $0x0  }
0x4c: {  	s25 =	sadd.s32 $0x1, s25;
	[sflag:s23] =	ssyncadd.s32 $0xFFFF8000  }
0x4d: {  	[hbm4b:s7+s20] =	stream.strided.scatter [tilespmem:s16], [sflag:$0x4], $0x8000, s21, s20, $0x38;
	[tilespmem:$0x14000] =	vst v63  }
0x4e: {  	p0 =	sne.s32 s25, s8;
	_ =	swait.ge [sflag:s22], $0x8000  }
.Ltmp1:
0x4f: {  	[sflag:s22] =	ssyncset.done $0x0;
	(pc) =	sbr.rel @p0 .LBB2_1-.Ltmp1, $4  }
0x50: {  	[sflag:s22] =	ssyncadd.s32 $0xFFFF8000  }
0x51: {  	_ =	swait.ge [sflag:s24], $0x8000  }
0x52: {  	[sflag:s24] =	ssyncset.done $0x0  }
0x53: {  	[sflag:s24] =	ssyncadd.s32 $0xFFFF8000  }
0x54: {  	_ =	sfence.sel $0x180000  }
0x55: {  	[bflag:$0x0] =	sbarrier.arrive $0xFFFF  }
0x56: {  	p0 =	sne.s32 s3, $0x0;
	_ =	strace $0x90000047  }
0x57: {  	s0 =	sadd.s32 @!p0 $0x100000, s0;
	[bflag:$0x2] =	sbarrier.arrive $0xFFFF  }
0x58: {  	[sflag:s0] =	ssyncadd.tile.s32 @!p0 $0x1;
	_ =	shalt  }
.Lfunc_end2:
_tile_overlayer_lowered:
.L_overlay_start_2:
0x59: {  	(tag) =	ssettag $0x2  }
0x5a: {  	s0 =	rddreg [dreg:$0x0];
	s2 =	stileid.u32  }
0x5b: {  	s1 =	rddreg [dreg:$0x1];
	p0 =	sne.s32 s2, $0x0  }
0x5c: {  	s3 =	rddreg [dreg:$0x2];
	[bflag:$0x3] =	sbarrier.arrive $0xFFFF;
	s2 =	simm.s32 @!p0 $0x1C05  }
0x5d: {  	[timem:s3], [sflag:s2] =	dma.local @!p0 [hbm:s0], s1  }
0x5e: {  	s0 =	simm.s32 @!p0 $0x5  }
0x5f: {  	_ =	swait.ge @!p0 [sflag:s0], s1  }
0x60: {  	s1 =	ssub.s32 @!p0 $0x0, s1;
	[sflag:s0] =	ssyncset.done @!p0 $0x0  }
0x61: {  	[sflag:s0] =	ssyncadd.s32 @!p0 s1  }
0x62: {  	[bflag:$0x3] =	sbarrier.arrive $0xFFFF  }
0x63: {  	_ =	shalt  }

// kernel: sparse-core-data-format-call.cloned.1.call-start
scs
called_computation_lowered:
.L_overlay_start_0:
0x0: {  	s2 =	sld [smem:$0x3FD9]  }
0x1: {  	s3 =	sld [smem:$0x3FFE];
	_ =	sdelay $0x1  }
0x2: {  	s1 =	srdreg.scid  }
0x3: {  	s0 =	sand.u32 $0x1, s1  }
0x4: {  	s18 =	sshll.u32 s0, $0xA;
	s2 =	sadd.s32 s3, s2  }
0x5: {  	s2 =	sadd.s32 s2, s18  }
0x6: {  	[smem:$0x3FC4] =	sst s2  }
0x7: {  	_ = 	snop  }
0x8: {  	s2 =	sld [smem:$0x3FD0];
	(tm) =	ssettm $0x1  }
0x9: {  	s19 =	sld [smem:$0x3FFB];
	_ =	sdelay $0x3  }
0xa: {  	_ =	strace s19  }
0xb: {  	s3 =	sld [smem:$0x3FFC];
	_ =	sdelay $0x3  }
0xc: {  	_ =	strace s3  }
0xd: {  	s3 =	sld [smem:$0x3FFD];
	_ =	sdelay $0x3  }
0xe: {  	_ =	strace s3  }
0xf: {  	_ =	strace $0x8FFFFFFF  }
0x10: {  	s20 =	sld [smem:$0x3FDB];
	_ =	sdelay $0x1  }
0x11: {  	s4 =	simm.s32 $_scs_section_size  }
0x12: {  	s5 =	simm.s32 $_size__tile_overlayer_lowered;
	s6 =	simm.s32 $_tile_overlayer_lowered  }
0x13: {  	s23 =	simm.s32 $0x1BFF;
	s22 =	sshll.u32 s6, $0x1;
	s3 =	sadd.s32 s4, s20  }
0x14: {  	s7 =	simm.s32 $0x0;
	s21 =	sshll.u32 s5, $0x1;
	s5 =	sadd.s32 s22, s3  }
0x15: {  	[timem:s7], [sflag:s23] =	dma.local [hbm:s5], s21  }
0x16: {  	_ =	swait.ge [sflag:s23], s21  }
0x17: {  	s4 =	ssub.s32 $0x0, s21;
	[sflag:s23] =	ssyncset.done $0x0  }
0x18: {  	[sflag:s23] =	ssyncadd.s32 s4;
	_ =	sdelay $0x1  }
0x19: {  	s24 =	simm.s32 $0x1B8B  }
0x1a: {  	_ =	swait.ge [sflag:s24], $0x1  }
0x1b: {  	[sflag:s24] =	ssyncset.done $0x0  }
0x1c: {  	s26 =	simm.s32 $0x1B8E;
	s25 =	sld [smem:$0x3FFE];
	[sflag:s24] =	ssyncadd.s32 $0xFFFFFFFF  }
0x1d: {  	s27 =	simm.s32 $execute0_lowered;
	[smem:$0x3FD2] =	sst s26  }
0x1e: {  	s5 =	sshll.u32 s27, $0x1;
	_ =	strace $0x80000049;
	[dreg:$0x1] =	wrdreg $0xFFFFFFFF  }
0x1f: {  	s28 =	simm.s32 $_size_execute0_lowered;
	s3 =	sadd.s32 s3, s5;
	[dreg:$0x0] =	wrdreg $0x0  }
0x20: {  	s5 =	sshll.u32 s28, $0x1;
	[dreg:$0x2] =	wrdreg s3  }
0x21: {  	[dreg:$0x3] =	wrdreg s5  }
0x22: {  	[dreg:$0x4] =	wrdreg $0xC0  }
0x23: {  	_ =	task [dreg:s7], $0x5FFFF  }
0x24: {  	[dreg:$0x1] =	wrdreg $0xFFFFFFFF  }
0x25: {  	[dreg:$0x0] =	wrdreg $0x60  }
0x26: {  	[dreg:$0x2] =	wrdreg s25  }
0x27: {  	[dreg:$0x3] =	wrdreg s2  }
0x28: {  	[dreg:$0x4] =	wrdreg $0x9  }
0x29: {  	_ =	task.clear_ibuf [dreg:s7], $0x5FFFF;
	_ =	strace $0x90000049  }
0x2a: {  	s29 =	simm.s32 $0x9;
	_ =	strace $0x8000004B  }
0x2b: {  	_ =	swait.ge [sflag:s29], $0x1  }
0x2c: {  	[sflag:s29] =	ssyncadd.s32 $0xFFFFFFFF  }
0x2d: {  	_ =	strace $0x9000004B  }
0x2e: {  	_ =	sfence  }
0x2f: {  	s30 =	sld [smem:$0x0];
	_ =	sdelay $0x2  }
0x30: {  	s31 =	sshll.u32 s1, $0xD;
	s1 =	sshrl.u32 s1, $0x2  }
0x31: {  	s3 =	sand.u32 $0x4000, s31;
	s1 =	sadd.s32 s1, s30  }
0x32: {  	s0 =	sor.u32 s3, s0;
	s1 =	sshll.u32 s1, $0x11  }
0x33: {  	s0 =	sor.u32 s1, s0  }
0x34: {  	s0 =	sadd.s32 $0x8F2B, s0  }
0x35: {  	[sflag:s0] =	ssyncadd.remote.s32 $0x1  }
0x36: {  	_ =	sfence.sel $0xFFFF  }
0x37: {  	[dreg:$0x0] =	wrdreg $0xFFFFFFFF;
	(pc) =	sbr.abs _section_cstart, $3  }
0x38: {  	[dreg:$0x1] =	wrdreg $0xFFFFFFFF  }
0x39: {  	_ =	task.clear_ibuf [dreg:s7], $0x2FFFF;
	_ =	strace $0x9FFFFFFF  }
0x3a: {  	(tm) =	ssettm $0x7FFFFFFF  }
0x3b: {  	_ =	shalt  }
tec
execute0_lowered:
.L_overlay_start_1:
0x0: {  	(tag) =	ssettag $0x1  }
0x1: {  	s0 =	srdreg.scid  }
0x2: {  	s1 =	sshll.u32 s0, $0x4  }
0x3: {  	s6 =	rddreg [dreg:$0x0];
	s0 =	stileid.u32;
	s1 =	sand.u32 $0x10, s1  }
0x4: {  	s3 =	rddreg [dreg:$0x1];
	s1 =	sor.u32 s0, s1  }
0x5: {  	s5 =	simm.s32 $0x1;
	s31 =	simm.s32 $0x2;
	s2 =	sshll.u32 s1, $0x7  }
0x6: {  	s15 =	simm.s32 $0x0;
	s8 =	simm.s32 $0x20000;
	s4 =	ssub.s32 $0x4000, s2  }
0x7: {  	s14 =	simm.s32 $0x0;
	s9 =	simm.s32 $0x0;
	s30 =	sand.u32 $0xF80, s4  }
0x8: {  	s10 =	simm.s32 $0x0;
	s11 =	simm.s32 $0x0;
	p0 =	sne.s32 s30, $0x0  }
.Ltmp0:
0x9: {  	s7 =	sshrl.u32 s4, $0xC;
	s5 =	simm.s32 @!p0 $0x0;
	(pc) =	sbr.rel .LBB1_1-.Ltmp0, $4  }
0xa: {  	s13 =	simm.s32 $0x0;
	s1 =	rddreg [dreg:$0x2];
	s5 =	sadd.s32 s5, s7  }
0xb: {  	_ =	strace $0x8000004A;
	s4 =	simm.s32 $0x1;
	s5 =	smul.u32 $0x21, s5  }
0xc: {  	s6 =	sadd.s32 $0xC00, s6;
	s12 =	smov.u32 s2;
	[sflag:s4] =	ssyncpa.u1 $0x0  }
0xd: {  	[sflag:s31] =	ssyncpa.u1 $0x0;
	p0 =	por $0x0, $0x0;
	s7 =	sadd.s32 $0x1, s5  }
.LBB1_4:
0xe: {  	s20 =	sshra.s32 s20, $0x2  }
0xf: {  	s28 =	sand.u32 $0x78, s10;
	s21 =	sshll.u32 s9, $0xE;
	s22 =	sshll.u32 s10, $0x3  }
0x10: {  	s24 =	sshll.u32 s9, $0x7;
	p1 =	sgt.s32 s9, $0xFC0;
	s30 =	sshra.s32 s9, $0x1F  }
0x11: {  	s26 =	sshra.s32 s10, $0x1F;
	s19 =	sadd.s32 s20, s19;
	s21 =	sand.u32 $0xFFFE0000, s21  }
0x12: {  	v5 =	vld [tilespmem:s17+$0xFFFFFFD0];
	[tilespmem:s18+$0x2040 ss:$0x81] =	vst.msk $0xffff, v4;
	s23 =	sand.u32 $0xFFFFFC00, s22;
	s29 =	sand.u32 $0x380, s24;
	s22 =	sand.u32 $0x3C00, s22  }
0x13: {  	v58 =	vld [tilespmem:s17+$0xFFFFFFE0];
	[tilespmem:s18+$0x2850 ss:$0x81] =	vst.msk $0xffff, v3;
	s21 =	sadd.s32 s23, s21;
	s20 =	sor.u32 s28, s22;
	s22 =	smov.u32 s9  }
0x14: {  	v59 =	vld [tilespmem:s17+$0xFFFFFFF0];
	[tilespmem:s18+$0x3060 ss:$0x81] =	vst.msk $0xffff, v2;
	s24 =	sand.u32 s30, s9;
	s21 =	sshrl.u32 s21, $0xE;
	s22 =	simm.s32 @!p1 $0xFC0  }
0x15: {  	v60 =	vld [tilespmem:s17+$0x0];
	[tilespmem:s18+$0x0 ss:$0x81] =	vst.msk $0xffff, v1;
	p1 =	sgt.s32 s10, $0x3F80;
	s31 =	ssub.s32 s22, s24;
	s22 =	smov.u32 s10  }
0x16: {  	v61 =	vld [tilespmem:s17+$0x10];
	[tilespmem:s19+$0x3870 ss:$0x81] =	vst.msk $0xffff, v0;
	s25 =	smulhi.u32 $0xFC0FD, s21;
	s24 =	sand.u32 s26, s10;
	s22 =	simm.s32 @!p1 $0x3F80  }
0x17: {  	v62 =	vld [tilespmem:s17+$0x20];
	s20 =	sor.u32 s29, s20;
	[tilespmem:s19+$0x810 ss:$0x81] =	vst.msk $0xffff, v5;
	s27 =	sadd.s32 $0xFFFFF040, s31;
	s22 =	ssub.s32 s22, s24  }
0x18: {  	v63 =	vld [tilespmem:s17+$0xFFFFFFC0];
	[tilespmem:s19+$0x1020 ss:$0x81] =	vst.msk $0xffff, v58;
	s18 =	ssub.s32 $0x1040, s31;
	s28 =	smul.u32 $0x1040, s25;
	s29 =	sadd.s32 $0xFFFFC080, s22  }
0x19: {  	[tilespmem:s19+$0x1830 ss:$0x81] =	vst.msk $0xffff, v59;
	p1 =	sgt.s32 s27, $0x7F;
	s22 =	ssub.s32 $0x4000, s22;
	p2 =	sgt.s32 s29, $0x7F  }
0x1a: {  	s30 =	sand.u32 $0x7, s10;
	[tilespmem:s19+$0x2040 ss:$0x81] =	vst.msk $0xffff, v60;
	s18 =	simm.s32 @p1 $0x0;
	s22 =	simm.s32 @p2 $0x0  }
0x1b: {  	s20 =	sshrl.u32 s20, $0x3;
	[tilespmem:s19+$0x2850 ss:$0x81] =	vst.msk $0xffff, v61;
	s17 =	ssub.s32 s21, s28;
	s18 =	smul.u32 s22, s18  }
0x1c: {  	[tilespmem:s19+$0x3060 ss:$0x81] =	vst.msk $0xffff, v62;
	s20 =	sadd.s32 s3, s20;
	s21 =	sshll.u32 s30, $0x12;
	s17 =	sshll.u32 s17, $0xB  }
0x1d: {  	[tilespmem:s19+$0x0 ss:$0x81] =	vst.msk $0xffff, v63;
	s31 =	sor.u32 $0x400, s21;
	s17 =	sadd.s32 s17, s20;
	s18 =	sand.u32 $0x3FFFFFFF, s18  }
0x1e: {  	[hbm4b:s17+s31] =	stream.strided.scatter [tilespmem:s16], [sflag:$0x2], s18, s8, s31, $0x20;
	[tilespmem:$0x10100] =	vst v63  }
.LBB1_5:
0x1f: {  	p1 =	slt.u32 s13, $0x2  }
0x20: {  	s17 =	smov.u32 s15;
	p2 =	sgt.s32 @!p1 s15, $0xFC0;
	s16 =	sshra.s32 @!p1 s15, $0x1F  }
0x21: {  	p3 =	sgt.s32 @!p1 s14, $0x3F80;
	s18 =	sshra.s32 @!p1 s14, $0x1F;
	p2 =	por !p2, p1  }
0x22: {  	s15 =	sand.u32 @!p1 s16, s15;
	p3 =	por !p3, p1;
	s16 =	smov.u32 s14  }
0x23: {  	s14 =	sand.u32 @!p1 s18, s14;
	s17 =	simm.s32 @p2 $0xFC0;
	s16 =	simm.s32 @p3 $0x3F80  }
0x24: {  	s15 =	ssub.s32 @!p1 s17, s15;
	s14 =	ssub.s32 @!p1 s16, s14  }
0x25: {  	s18 =	smov.u32 s12;
	s16 =	sadd.s32 @!p1 $0xFFFFF040, s15;
	s17 =	sadd.s32 @!p1 $0xFFFFC080, s14  }
0x26: {  	s15 =	ssub.s32 @!p1 $0x1040, s15;
	p2 =	sgt.s32 @!p1 s16, $0x7F;
	p3 =	sgt.s32 @!p1 s17, $0x7F  }
0x27: {  	s14 =	ssub.s32 @!p1 $0x4000, s14;
	p2 =	por !p2, p1;
	p3 =	por !p3, p1  }
0x28: {  	s16 =	sadd.s32 $0x80, s11;
	s15 =	simm.s32 @!p2 $0x0;
	s14 =	simm.s32 @!p3 $0x0  }
0x29: {  	p2 =	sgt.s32 s16, $0x103F;
	s14 =	smul.u32 @!p1 s14, s15;
	s15 =	sadd.s32 $0x1000, s12  }
0x2a: {  	s18 =	smov.u32 @p2 s15  }
0x2b: {  	s16 =	simm.s32 @p2 $0x0;
	p2 =	sgt.s32 s18, $0x3FFF  }
0x2c: {  	s18 =	smov.u32 @p2 s2;
	p2 =	sne.s32 s13, s7  }
.Ltmp1:
0x2d: {  	p0 =	por !p0, !p0;
	s17 =	simm.s32 @!p1 $0x2;
	(pc) =	sbr.rel @!p2 .LBB1_6-.Ltmp1, $4  }
0x2e: {  	s15 =	smov.u32 s9;
	s9 =	smov.u32 s11;
	s14 =	sand.u32 @!p1 $0x3FFFFFFF, s14  }
0x2f: {  	s11 =	smov.u32 s16;
	_ =	swait.ge @!p1 [sflag:s17], s14;
	s19 =	ssub.s32 @!p1 $0x0, s14  }
0x30: {  	s14 =	smov.u32 s10;
	s13 =	sadd.s32 $0x1, s13;
	[sflag:s17] =	ssyncset.done @!p1 $0x0  }
0x31: {  	s10 =	smov.u32 s12;
	s12 =	smov.u32 s18;
	[sflag:s17] =	ssyncadd.s32 @!p1 s19  }
.LBB1_1:
0x32: {  	p1 =	sge.u32 s13, s5  }
0x33: {  	s16 =	sshrl.u32 @!p1 s12, $0x3  }
0x34: {  	s17 =	sshll.u32 @!p1 s11, $0x3;
	s16 =	smul.u32 @!p1 $0x8400, s16  }
0x35: {  	s18 =	sshll.u32 @!p1 s12, $0x7;
	s17 =	sand.u32 @!p1 $0xFFFFFC00, s17  }
0x36: {  	s16 =	sadd.s32 @!p1 s16, s17;
	s17 =	sand.u32 @!p1 $0x380, s18  }
0x37: {  	s18 =	sand.u32 @!p1 $0x7F, s11;
	s16 =	sor.u32 @!p1 s17, s16  }
0x38: {  	s17 =	sor.u32 @!p1 s18, s16  }
0x39: {  	s18 =	smulhi.u32 @!p1 $0x3E0F83E1, s17;
	_ =	sdelay $0x1  }
0x3a: {  	s16 =	smulhi.u32 @!p1 $0x3E0F83E1, s16;
	s18 =	sshrl.u32 @!p1 s18, $0xA  }
0x3b: {  	s18 =	smul.u32 @!p1 $0x1080, s18  }
0x3c: {  	s31 =	sadd.s32 $0xFFFFFFFF, s13;
	s19 =	sxor.u32 @!p1 $0xFFFFFFFF, s13;
	s16 =	sshrl.u32 @!p1 s16, $0xA  }
0x3d: {  	s19 =	sshll.u32 @!p1 s19, $0xE;
	s16 =	sand.u32 @!p1 $0x3FFF, s16;
	s17 =	ssub.s32 @!p1 s17, s18  }
0x3e: {  	s16 =	smul.u32 @!p1 $0x210, s16;
	s18 =	sshrl.u32 @!p1 s17, $0x3;
	s17 =	sand.u32 @!p1 $0x7, s17  }
0x3f: {  	s19 =	sand.u32 @!p1 $0x4000, s19;
	s18 =	sadd.s32 @!p1 s6, s18;
	s17 =	sshll.u32 @!p1 s17, $0x12  }
0x40: {  	s16 =	sadd.s32 @!p1 s16, s18;
	s17 =	sor.u32 @!p1 $0x400, s17;
	s18 =	simm.s32 @!p1 $0x8400  }
0x41: {  	[tilespmem:s19], [sflag:$0x1] =	stream.strided.gather @!p1 [hbm4b:s16+s17], $0x4000, s18, s17, $0x38;
	[tilespmem:$0x10100] =	vst v63  }
0x42: {  	p1 =	sge.u32 s31, s5  }
.Ltmp2:
0x43: {  	_ = 	snop;
	(pc) =	sbr.rel @p1 .LBB1_5-.Ltmp2, $1  }
0x44: {  	_ =	sdelay $0x3  }
0x45: {  	s16 =	simm.s32 $0x1  }
0x46: {  	_ =	swait.ge [sflag:s4], $0x4000;
	s16 =	simm.s32 @!p0 $0x0  }
0x47: {  	[sflag:s4] =	ssyncset.done $0x0;
	s17 =	sshll.u32 s16, $0xE  }
0x48: {  	[sflag:s4] =	ssyncadd.s32 $0xFFFFC000;
	s17 =	sor.u32 $0x40, s17  }
0x49: {  	s16 =	smul.u32 $0x10200, s16;
	v0 =	vld [tilespmem:s17+$0x30]  }
0x4a: {  	v1 =	vld [tilespmem:s17+$0xFFFFFFD0]  }
0x4b: {  	s16 =	sshrl.u32 s16, $0x2;
	v5 =	vld [tilespmem:s17+$0xFFFFFFE0]  }
0x4c: {  	v6 =	vld [tilespmem:s17+$0xFFFFFFF0];
	s19 =	sor.u32 $0x8000, s16  }
0x4d: {  	s31 =	sand.u32 $0x1, s13;
	v4 =	vld [tilespmem:s17+$0x0];
	s18 =	sadd.s32 $0x0, s19  }
0x4e: {  	v3 =	vld [tilespmem:s17+$0x10];
	s16 =	smul.u32 $0x10200, s31;
	[tilespmem:s18+$0x3870 ss:$0x81] =	vst.msk $0xffff, v0  }
0x4f: {  	v2 =	vld [tilespmem:s17+$0x20];
	[tilespmem:s18+$0x810 ss:$0x81] =	vst.msk $0xffff, v1  }
0x50: {  	s16 =	sshrl.u32 s16, $0x2;
	v1 =	vld [tilespmem:s17+$0xFFFFFFC0];
	[tilespmem:s18+$0x1020 ss:$0x81] =	vst.msk $0xffff, v5;
	s17 =	sadd.s32 $0x80, s17  }
0x51: {  	s20 =	simm.s32 $0x4;
	s21 =	simm.s32 $0x8;
	s16 =	sor.u32 $0x8000, s16;
	[tilespmem:s18+$0x1830 ss:$0x81] =	vst.msk $0xffff, v6;
	v0 =	vld [tilespmem:s17+$0x30]  }
.LBB1_3:
0x52: {  	p1 =	sne.s32 s21, $0x1FC;
	v5 =	vld [tilespmem:s17+$0xFFFFFFD0];
	[tilespmem:s18+$0x2040 ss:$0x81] =	vst.msk $0xffff, v4  }
0x53: {  	v6 =	vld [tilespmem:s17+$0xFFFFFFE0];
	[tilespmem:s18+$0x2850 ss:$0x81] =	vst.msk $0xffff, v3  }
0x54: {  	s22 =	sshra.s32 s20, $0x2;
	s20 =	smov.u32 s21;
	v7 =	vld [tilespmem:s17+$0xFFFFFFF0];
	[tilespmem:s18+$0x3060 ss:$0x81] =	vst.msk $0xffff, v2  }
.Ltmp3:
0x55: {  	v4 =	vld [tilespmem:s17+$0x0];
	[tilespmem:s18+$0x0 ss:$0x81] =	vst.msk $0xffff, v1;
	s18 =	sadd.s32 s22, s19;
	(pc) =	sbr.rel @p1 .LBB1_3-.Ltmp3, $4  }
0x56: {  	v3 =	vld [tilespmem:s17+$0x10];
	[tilespmem:s18+$0x3870 ss:$0x81] =	vst.msk $0xffff, v0  }
0x57: {  	[tilespmem:s18+$0x810 ss:$0x81] =	vst.msk $0xffff, v5;
	v2 =	vld [tilespmem:s17+$0x20]  }
0x58: {  	v1 =	vld [tilespmem:s17+$0xFFFFFFC0];
	[tilespmem:s18+$0x1020 ss:$0x81] =	vst.msk $0xffff, v6;
	s17 =	sadd.s32 $0x80, s17  }
0x59: {  	s21 =	sadd.s32 $0x4, s21;
	v0 =	vld [tilespmem:s17+$0x30];
	[tilespmem:s18+$0x1830 ss:$0x81] =	vst.msk $0xffff, v7  }
.Ltmp4:
0x5a: {  	_ = 	snop;
	(pc) =	sbr.rel .LBB1_4-.Ltmp4, $1  }
0x5b: {  	_ =	sdelay $0x3  }
.LBB1_6:
0x5c: {  	_ =	sfence.sel $0x180000  }
0x5d: {  	s2 =	simm.s32 $0x1;
	[bflag:$0x0] =	sbarrier.arrive $0xFFFF  }
0x5e: {  	s31 =	simm.s32 $0x2;
	[sflag:s2] =	ssyncpa.u1 $0x1  }
0x5f: {  	[sflag:s31] =	ssyncpa.u1 $0x1  }
0x60: {  	p0 =	sne.s32 s0, $0x0;
	_ =	strace $0x9000004A  }
0x61: {  	s0 =	sadd.s32 @!p0 $0x100000, s1;
	[bflag:$0x2] =	sbarrier.arrive $0xFFFF  }
0x62: {  	[sflag:s0] =	ssyncadd.tile.s32 @!p0 $0x1;
	_ =	shalt  }
.Lfunc_end1:
_tile_overlayer_lowered:
.L_overlay_start_2:
0x63: {  	(tag) =	ssettag $0x2  }
0x64: {  	s0 =	rddreg [dreg:$0x0];
	s2 =	stileid.u32  }
0x65: {  	s1 =	rddreg [dreg:$0x1];
	p0 =	sne.s32 s2, $0x0  }
0x66: {  	s3 =	rddreg [dreg:$0x2];
	[bflag:$0x3] =	sbarrier.arrive $0xFFFF;
	s2 =	simm.s32 @!p0 $0x1C01  }
0x67: {  	[timem:s3], [sflag:s2] =	dma.local @!p0 [hbm:s0], s1  }
0x68: {  	s0 =	simm.s32 @!p0 $0x1  }
0x69: {  	_ =	swait.ge @!p0 [sflag:s0], s1  }
0x6a: {  	s1 =	ssub.s32 @!p0 $0x0, s1;
	[sflag:s0] =	ssyncset.done @!p0 $0x0  }
0x6b: {  	[sflag:s0] =	ssyncadd.s32 @!p0 s1  }
0x6c: {  	[bflag:$0x3] =	sbarrier.arrive $0xFFFF  }
0x6d: {  	_ =	shalt  }

</sc_bundles>
